<compile_context>
chip_gen: v7x
topology: tpu7x:2x2x1
jax: 0.10.2.dev20260603
libtpu: 0.0.44.dev20260713+nightly
codegen_flags: <defaults>
</compile_context>

<pallas_src>
import functools

import jax
import jax.numpy as jnp
from jax import lax
from jax.experimental import pallas as pl
from jax.experimental.pallas import tpu as pltpu
from jax.experimental.pallas import tpu_sc as plsc

_WINDOW = 11
_LANES = 16
_BLK = 128


def _sc_window_ids(words, pos, seq_len):
    mesh = plsc.VectorSubcoreMesh(
        core_axis_name="c", subcore_axis_name="s", num_cores=1, num_subcores=1
    )

    @functools.partial(
        pl.kernel,
        out_type=jax.ShapeDtypeStruct((_LANES,), jnp.int32),
        mesh=mesh,
        scratch_types=[
            pltpu.VMEM((_LANES,), jnp.int32),
            pltpu.VMEM((_LANES,), jnp.int32),
            pltpu.SemaphoreType.DMA,
        ],
    )
    def _ids(words_hbm, pos_hbm, out_hbm, pos_v, idx_v, sem):
        pltpu.sync_copy(pos_hbm, pos_v)
        p = pos_v[...]
        pos_v[...] = jnp.clip(p, 0, seq_len - 1)
        pltpu.async_copy(words_hbm.at[pos_v], idx_v, sem).wait()
        lane = lax.iota(jnp.int32, _LANES)
        valid = (p >= 0) & (p < seq_len) & (lane < _WINDOW)
        idx_v[...] = jnp.where(valid, idx_v[...], 0)
        pltpu.sync_copy(idx_v, out_hbm)

    return _ids(words, pos)


def _tc_extract(table_t, wids):
    embed_dim = table_t.shape[0]
    width = _WINDOW * _BLK

    def _body(wids_ref, wids_vec_ref, tbl_ref, out_ref, blks_ref, sem):
        copies = []
        for j in range(_WINDOW):
            g = (wids_ref[j] // _BLK) * _BLK
            copies.append(pltpu.make_async_copy(
                tbl_ref.at[:, pl.ds(g, _BLK)],
                blks_ref.at[:, pl.ds(j * _BLK, _BLK)], sem))
        for c in copies:
            c.start()
        for c in copies:
            c.wait()
        v = wids_vec_ref[...]
        target = lax.broadcasted_iota(jnp.int32, (_LANES, 1), 0) * _BLK \
            + (v % _BLK).reshape(_LANES, 1)
        onehot = (target == lax.broadcasted_iota(jnp.int32, (_LANES, width), 1)
                  ).astype(jnp.float32)
        res = lax.dot_general(
            onehot, blks_ref[...], (((1,), (1,)), ((), ())),
            precision=lax.Precision.HIGHEST,
            preferred_element_type=jnp.float32)
        out_ref[...] = res[:_WINDOW, :]

    grid_spec = pltpu.PrefetchScalarGridSpec(
        num_scalar_prefetch=1,
        grid=(1,),
        in_specs=[
            pl.BlockSpec((1, _LANES), lambda i, wids_ref: (0, 0)),
            pl.BlockSpec(memory_space=pl.ANY),
        ],
        out_specs=pl.BlockSpec((_WINDOW, embed_dim), lambda i, wids_ref: (0, 0)),
        scratch_shapes=[
            pltpu.VMEM((embed_dim, width), jnp.float32),
            pltpu.SemaphoreType.DMA,
        ],
    )
    return pl.pallas_call(
        _body,
        grid_spec=grid_spec,
        out_shape=jax.ShapeDtypeStruct((_WINDOW, embed_dim), jnp.float32),
    )(wids, wids.reshape(1, _LANES), table_t)


def kernel(table, words, wid, wsize):
    seq_len = words.shape[0]
    table_t = table.T
    pos = (
        jnp.asarray(wid, jnp.int32)
        - jnp.asarray(wsize, jnp.int32)
        + jnp.arange(_LANES, dtype=jnp.int32)
    )
    wids = _sc_window_ids(words, pos, seq_len)
    return _tc_extract(table_t, wids)

# --- scband reference (transcript-rebuilt; emitter-appended) ---
"""Pipeline reference for scband-context-encoder-19061064860026 (READ-ONLY COPY).

The authoritative reference and input builder live on the scoring server;
editing this copy changes nothing except your own understanding.
"""

import jax, jax.numpy as jnp
import numpy as np

VOCAB = 100000
EMBED_DIM = 64
SEQ_LEN = 200


def setup_inputs(seed: int = 0) -> dict:
    key = jax.random.key(seed)
    k1, k2 = jax.random.split(key)
    # graph.words: the sentence as word ids (value 0 reserved for masking/padding)
    words = jax.random.randint(k1, (SEQ_LEN,), 1, VOCAB, dtype=jnp.int32)
    # Embedding table; row 0 is the masking/padding vector (zeros)
    table = jax.random.normal(k2, (VOCAB, EMBED_DIM), dtype=jnp.float32) * 0.02
    table = table.at[0].set(0.0)
    return {"table": table, "words": words, "wid": 100, "wsize": 5}


def reference(table, words, wid, wsize):
    # Faithful translation of ContextEncoder.forward:
    # slice a [wid-wsize, wid+wsize] window of word ids out of the sentence,
    # pad out-of-boundary positions with id 0, then embed.
    seq_len = words.shape[0]  # graph.sentenceSize()
    window = 2 * 5 + 1  # setup_inputs always passes wsize=5
    idx = wid - wsize + jnp.arange(window, dtype=jnp.int32)
    valid = (idx >= 0) & (idx < seq_len)
    wids = jnp.where(valid, jnp.take(words, jnp.clip(idx, 0, seq_len - 1)), 0)
    # embedding lookup -> gather rows of the table
    return jnp.take(table, wids, axis=0)

if __name__ == "__main__":
    import jax
    _d = setup_inputs()
    print(jax.jit(kernel)(*tuple(_d.values())))

</pallas_src>

<mosaic_0001>
#map = affine_map<(d0, d1) -> (0)>
module attributes {stable_mosaic.version = 14 : i64} {
  func.func @_ids(%arg0: i32, %arg1: i32, %arg2: memref<200xi32, #tpu.memory_space<hbm>>, %arg3: memref<16xi32, #tpu.memory_space<hbm>>, %arg4: memref<16xi32, #tpu.memory_space<hbm>>, %arg5: memref<16xi32, #tpu.memory_space<vmem>>, %arg6: memref<16xi32, #tpu.memory_space<vmem>>, %arg7: memref<!tpu.dma_semaphore, #tpu.memory_space<semaphore_mem>>) attributes {dimension_semantics = [#tpu.dimension_semantics<core_parallel>, #tpu.dimension_semantics<subcore_parallel>], iteration_bounds = array<i64: 1, 1>, scalar_prefetch = 0 : i64, scratch_operands = 3 : i64, tpu.core_type = #tpu.core_type<sc_vector_subcore>, window_params = [{transform_indices = #map}, {transform_indices = #map}, {transform_indices = #map}]} {
    "tpu.region"() ({
      %run_scoped3A = tpu.sem_alloc : memref<!tpu.dma_semaphore, #tpu.memory_space<semaphore_mem>>
      tpu.enqueue_dma source(%arg3 : memref<16xi32, #tpu.memory_space<hbm>>) target(%arg5 : memref<16xi32, #tpu.memory_space<vmem>>) target_semaphore(%run_scoped3A : memref<!tpu.dma_semaphore, #tpu.memory_space<semaphore_mem>>)
      tpu.wait_dma2 semaphore(%run_scoped3A : memref<!tpu.dma_semaphore, #tpu.memory_space<semaphore_mem>>) src(%arg3 : memref<16xi32, #tpu.memory_space<hbm>>) dst(%arg5 : memref<16xi32, #tpu.memory_space<vmem>>)
      tpu.yield
    }) : () -> ()
    %get3A = arith.constant 0 : index
    %get3A_0 = tpu.vector_load %arg5[%get3A] {strides = array<i32>} : memref<16xi32, #tpu.memory_space<vmem>>, vector<16xi32>,
    %get3A_1 = vector.shape_cast %get3A_0 : vector<16xi32> to vector<16xi32>
    %jit3A = arith.constant 0 : i32
    %jit3A_2 = arith.constant 199 : i32
    %max3A = vector.broadcast %jit3A : i32 to vector<16xi32>
    %max3A_3 = arith.maxsi %max3A, %get3A_1 : vector<16xi32>
    %min3A = vector.broadcast %jit3A_2 : i32 to vector<16xi32>
    %min3A_4 = arith.minsi %min3A, %max3A_3 : vector<16xi32>
    %swap3A = arith.constant 0 : index
    %swap3A_5 = tpu.vector_load %arg5[%swap3A] {strides = array<i32>} : memref<16xi32, #tpu.memory_space<vmem>>, vector<16xi32>,
    %swap3A_6 = vector.shape_cast %swap3A_5 : vector<16xi32> to vector<16xi32>
    %swap3A_7 = vector.shape_cast %min3A_4 : vector<16xi32> to vector<16xi32>
    tpu.vector_store %arg5[%swap3A], %swap3A_7 {strides = array<i32>} : memref<16xi32, #tpu.memory_space<vmem>>, vector<16xi32>,
    %dma_start3A = arith.constant 0 : i32
    %dma_start3A_8 = tpu.memref_slice %arg2[%dma_start3A] : memref<200xi32, #tpu.memory_space<hbm>> -> memref<200xi32, #tpu.memory_space<hbm>>
    tpu.enqueue_indirect_dma source(%dma_start3A_8 : memref<200xi32, #tpu.memory_space<hbm>>) target(%arg6 : memref<16xi32, #tpu.memory_space<vmem>>) offsets(%arg5 : memref<16xi32, #tpu.memory_space<vmem>>) semaphore(%arg7 : memref<!tpu.dma_semaphore, #tpu.memory_space<semaphore_mem>>)
    %dma_wait3A = arith.constant 0 : i32
    %dma_wait3A_9 = tpu.memref_slice %arg2[%dma_wait3A] : memref<200xi32, #tpu.memory_space<hbm>> -> memref<200xi32, #tpu.memory_space<hbm>>
    tpu.wait_indirect_dma semaphore(%arg7 : memref<!tpu.dma_semaphore, #tpu.memory_space<semaphore_mem>>) src(%dma_wait3A_9 : memref<200xi32, #tpu.memory_space<hbm>>) dst(%arg6 : memref<16xi32, #tpu.memory_space<vmem>>)
    %iota3A = tpu.iota {dimensions = array<i32: 0>} : vector<16xi32>
    %ge3A = arith.constant 0 : i32
    %ge3A_10 = vector.broadcast %ge3A : i32 to vector<16xi32>
    %ge3A_11 = arith.cmpi sge, %get3A_1, %ge3A_10 : vector<16xi32>
    %lt3A = arith.constant 200 : i32
    %lt3A_12 = vector.broadcast %lt3A : i32 to vector<16xi32>
    %lt3A_13 = arith.cmpi slt, %get3A_1, %lt3A_12 : vector<16xi32>
    %and3A = arith.andi %ge3A_11, %lt3A_13 : vector<16xi1>
    %lt3A_14 = arith.constant 11 : i32
    %lt3A_15 = vector.broadcast %lt3A_14 : i32 to vector<16xi32>
    %lt3A_16 = arith.cmpi slt, %iota3A, %lt3A_15 : vector<16xi32>
    %and3A_17 = arith.andi %and3A, %lt3A_16 : vector<16xi1>
    %get3A_18 = arith.constant 0 : index
    %get3A_19 = tpu.vector_load %arg6[%get3A_18] {strides = array<i32>} : memref<16xi32, #tpu.memory_space<vmem>>, vector<16xi32>,
    %get3A_20 = vector.shape_cast %get3A_19 : vector<16xi32> to vector<16xi32>
    %jit3A_21 = arith.constant 0 : i32
    %broadcast_in_dim3A = vector.broadcast %jit3A_21 : i32 to vector<16xi32>
    %select_n3A = arith.select %and3A_17, %get3A_20, %broadcast_in_dim3A : vector<16xi1>, vector<16xi32>
    %swap3A_22 = arith.constant 0 : index
    %swap3A_23 = tpu.vector_load %arg6[%swap3A_22] {strides = array<i32>} : memref<16xi32, #tpu.memory_space<vmem>>, vector<16xi32>,
    %swap3A_24 = vector.shape_cast %swap3A_23 : vector<16xi32> to vector<16xi32>
    %swap3A_25 = vector.shape_cast %select_n3A : vector<16xi32> to vector<16xi32>
    tpu.vector_store %arg6[%swap3A_22], %swap3A_25 {strides = array<i32>} : memref<16xi32, #tpu.memory_space<vmem>>, vector<16xi32>,
    "tpu.region"() ({
      %run_scoped3A = tpu.sem_alloc : memref<!tpu.dma_semaphore, #tpu.memory_space<semaphore_mem>>
      tpu.enqueue_dma source(%arg6 : memref<16xi32, #tpu.memory_space<vmem>>) target(%arg4 : memref<16xi32, #tpu.memory_space<hbm>>) target_semaphore(%run_scoped3A : memref<!tpu.dma_semaphore, #tpu.memory_space<semaphore_mem>>)
      tpu.wait_dma2 semaphore(%run_scoped3A : memref<!tpu.dma_semaphore, #tpu.memory_space<semaphore_mem>>) src(%arg6 : memref<16xi32, #tpu.memory_space<vmem>>) dst(%arg4 : memref<16xi32, #tpu.memory_space<hbm>>)
      tpu.yield
    }) : () -> ()
    return
  }
}

module attributes {stable_mosaic.version = 14 : i64} {
  func.func @_body(%arg0: i32, %arg1: memref<16xi32, #tpu.memory_space<smem>>, %arg2: memref<1x16xi32, #tpu.memory_space<vmem>>, %arg3: memref<64x100000xf32, #tpu.memory_space<any>>, %arg4: memref<11x64xf32, #tpu.memory_space<vmem>>, %arg5: memref<64x1408xf32, #tpu.memory_space<vmem>>, %arg6: memref<!tpu.dma_semaphore, #tpu.memory_space<semaphore_mem>>) attributes {dimension_semantics = [#tpu.dimension_semantics<arbitrary>], iteration_bounds = array<i64: 1>, scalar_prefetch = 1 : i64, scratch_operands = 2 : i64, tpu.core_type = #tpu.core_type<tc>, window_params = [{pipeline_mode = #tpu.pipeline_mode<synchronous>, transform_indices = @transform_0, window_bounds = array<i64: 1, 16>}, {}, {pipeline_mode = #tpu.pipeline_mode<synchronous>, transform_indices = @transform_2, window_bounds = array<i64: 11, 64>}]} {
    %get3A = arith.constant 0 : index
    %get3A_0 = memref.load %arg1[%get3A] : memref<16xi32, #tpu.memory_space<smem>>
    %jit3A = arith.constant 128 : i32
    %div3A = arith.divsi %get3A_0, %jit3A : i32
    %sign3A = arith.constant 0 : i32
    %sign3A_1 = arith.cmpi sgt, %get3A_0, %sign3A : i32
    %sign3A_2 = arith.extui %sign3A_1 : i1 to i32
    %sign3A_3 = arith.constant 0 : i32
    %sign3A_4 = arith.cmpi slt, %get3A_0, %sign3A_3 : i32
    %sign3A_5 = arith.extui %sign3A_4 : i1 to i32
    %sign3A_6 = arith.subi %sign3A_2, %sign3A_5 : i32
    %sign3A_7 = arith.constant 0 : i32
    %sign3A_8 = arith.cmpi sgt, %jit3A, %sign3A_7 : i32
    %sign3A_9 = arith.extui %sign3A_8 : i1 to i32
    %sign3A_10 = arith.constant 0 : i32
    %sign3A_11 = arith.cmpi slt, %jit3A, %sign3A_10 : i32
    %sign3A_12 = arith.extui %sign3A_11 : i1 to i32
    %sign3A_13 = arith.subi %sign3A_9, %sign3A_12 : i32
    %ne3A = arith.cmpi ne, %sign3A_6, %sign3A_13 : i32
    %rem3A = arith.remsi %get3A_0, %jit3A : i32
    %ne3A_14 = arith.constant 0 : i32
    %ne3A_15 = arith.cmpi ne, %rem3A, %ne3A_14 : i32
    %and3A = arith.andi %ne3A, %ne3A_15 : i1
    %sub3A = arith.constant 1 : i32
    %sub3A_16 = arith.subi %div3A, %sub3A : i32
    %select_n3A = arith.select %and3A, %sub3A_16, %div3A : i32
    %mul3A = arith.constant 128 : i32
    %mul3A_17 = arith.muli %select_n3A, %mul3A : i32
    %get3A_18 = arith.constant 1 : index
    %get3A_19 = memref.load %arg1[%get3A_18] : memref<16xi32, #tpu.memory_space<smem>>
    %jit3A_20 = arith.constant 128 : i32
    %div3A_21 = arith.divsi %get3A_19, %jit3A_20 : i32
    %sign3A_22 = arith.constant 0 : i32
    %sign3A_23 = arith.cmpi sgt, %get3A_19, %sign3A_22 : i32
    %sign3A_24 = arith.extui %sign3A_23 : i1 to i32
    %sign3A_25 = arith.constant 0 : i32
    %sign3A_26 = arith.cmpi slt, %get3A_19, %sign3A_25 : i32
    %sign3A_27 = arith.extui %sign3A_26 : i1 to i32
    %sign3A_28 = arith.subi %sign3A_24, %sign3A_27 : i32
    %sign3A_29 = arith.constant 0 : i32
    %sign3A_30 = arith.cmpi sgt, %jit3A_20, %sign3A_29 : i32
    %sign3A_31 = arith.extui %sign3A_30 : i1 to i32
    %sign3A_32 = arith.constant 0 : i32
    %sign3A_33 = arith.cmpi slt, %jit3A_20, %sign3A_32 : i32
    %sign3A_34 = arith.extui %sign3A_33 : i1 to i32
    %sign3A_35 = arith.subi %sign3A_31, %sign3A_34 : i32
    %ne3A_36 = arith.cmpi ne, %sign3A_28, %sign3A_35 : i32
    %rem3A_37 = arith.remsi %get3A_19, %jit3A_20 : i32
    %ne3A_38 = arith.constant 0 : i32
    %ne3A_39 = arith.cmpi ne, %rem3A_37, %ne3A_38 : i32
    %and3A_40 = arith.andi %ne3A_36, %ne3A_39 : i1
    %sub3A_41 = arith.constant 1 : i32
    %sub3A_42 = arith.subi %div3A_21, %sub3A_41 : i32
    %select_n3A_43 = arith.select %and3A_40, %sub3A_42, %div3A_21 : i32
    %mul3A_44 = arith.constant 128 : i32
    %mul3A_45 = arith.muli %select_n3A_43, %mul3A_44 : i32
    %get3A_46 = arith.constant 2 : index
    %get3A_47 = memref.load %arg1[%get3A_46] : memref<16xi32, #tpu.memory_space<smem>>
    %jit3A_48 = arith.constant 128 : i32
    %div3A_49 = arith.divsi %get3A_47, %jit3A_48 : i32
    %sign3A_50 = arith.constant 0 : i32
    %sign3A_51 = arith.cmpi sgt, %get3A_47, %sign3A_50 : i32
    %sign3A_52 = arith.extui %sign3A_51 : i1 to i32
    %sign3A_53 = arith.constant 0 : i32
    %sign3A_54 = arith.cmpi slt, %get3A_47, %sign3A_53 : i32
    %sign3A_55 = arith.extui %sign3A_54 : i1 to i32
    %sign3A_56 = arith.subi %sign3A_52, %sign3A_55 : i32
    %sign3A_57 = arith.constant 0 : i32
    %sign3A_58 = arith.cmpi sgt, %jit3A_48, %sign3A_57 : i32
    %sign3A_59 = arith.extui %sign3A_58 : i1 to i32
    %sign3A_60 = arith.constant 0 : i32
    %sign3A_61 = arith.cmpi slt, %jit3A_48, %sign3A_60 : i32
    %sign3A_62 = arith.extui %sign3A_61 : i1 to i32
    %sign3A_63 = arith.subi %sign3A_59, %sign3A_62 : i32
    %ne3A_64 = arith.cmpi ne, %sign3A_56, %sign3A_63 : i32
    %rem3A_65 = arith.remsi %get3A_47, %jit3A_48 : i32
    %ne3A_66 = arith.constant 0 : i32
    %ne3A_67 = arith.cmpi ne, %rem3A_65, %ne3A_66 : i32
    %and3A_68 = arith.andi %ne3A_64, %ne3A_67 : i1
    %sub3A_69 = arith.constant 1 : i32
    %sub3A_70 = arith.subi %div3A_49, %sub3A_69 : i32
    %select_n3A_71 = arith.select %and3A_68, %sub3A_70, %div3A_49 : i32
    %mul3A_72 = arith.constant 128 : i32
    %mul3A_73 = arith.muli %select_n3A_71, %mul3A_72 : i32
    %get3A_74 = arith.constant 3 : index
    %get3A_75 = memref.load %arg1[%get3A_74] : memref<16xi32, #tpu.memory_space<smem>>
    %jit3A_76 = arith.constant 128 : i32
    %div3A_77 = arith.divsi %get3A_75, %jit3A_76 : i32
    %sign3A_78 = arith.constant 0 : i32
    %sign3A_79 = arith.cmpi sgt, %get3A_75, %sign3A_78 : i32
    %sign3A_80 = arith.extui %sign3A_79 : i1 to i32
    %sign3A_81 = arith.constant 0 : i32
    %sign3A_82 = arith.cmpi slt, %get3A_75, %sign3A_81 : i32
    %sign3A_83 = arith.extui %sign3A_82 : i1 to i32
    %sign3A_84 = arith.subi %sign3A_80, %sign3A_83 : i32
    %sign3A_85 = arith.constant 0 : i32
    %sign3A_86 = arith.cmpi sgt, %jit3A_76, %sign3A_85 : i32
    %sign3A_87 = arith.extui %sign3A_86 : i1 to i32
    %sign3A_88 = arith.constant 0 : i32
    %sign3A_89 = arith.cmpi slt, %jit3A_76, %sign3A_88 : i32
    %sign3A_90 = arith.extui %sign3A_89 : i1 to i32
    %sign3A_91 = arith.subi %sign3A_87, %sign3A_90 : i32
    %ne3A_92 = arith.cmpi ne, %sign3A_84, %sign3A_91 : i32
    %rem3A_93 = arith.remsi %get3A_75, %jit3A_76 : i32
    %ne3A_94 = arith.constant 0 : i32
    %ne3A_95 = arith.cmpi ne, %rem3A_93, %ne3A_94 : i32
    %and3A_96 = arith.andi %ne3A_92, %ne3A_95 : i1
    %sub3A_97 = arith.constant 1 : i32
    %sub3A_98 = arith.subi %div3A_77, %sub3A_97 : i32
    %select_n3A_99 = arith.select %and3A_96, %sub3A_98, %div3A_77 : i32
    %mul3A_100 = arith.constant 128 : i32
    %mul3A_101 = arith.muli %select_n3A_99, %mul3A_100 : i32
    %get3A_102 = arith.constant 4 : index
    %get3A_103 = memref.load %arg1[%get3A_102] : memref<16xi32, #tpu.memory_space<smem>>
    %jit3A_104 = arith.constant 128 : i32
    %div3A_105 = arith.divsi %get3A_103, %jit3A_104 : i32
    %sign3A_106 = arith.constant 0 : i32
    %sign3A_107 = arith.cmpi sgt, %get3A_103, %sign3A_106 : i32
    %sign3A_108 = arith.extui %sign3A_107 : i1 to i32
    %sign3A_109 = arith.constant 0 : i32
    %sign3A_110 = arith.cmpi slt, %get3A_103, %sign3A_109 : i32
    %sign3A_111 = arith.extui %sign3A_110 : i1 to i32
    %sign3A_112 = arith.subi %sign3A_108, %sign3A_111 : i32
    %sign3A_113 = arith.constant 0 : i32
    %sign3A_114 = arith.cmpi sgt, %jit3A_104, %sign3A_113 : i32
    %sign3A_115 = arith.extui %sign3A_114 : i1 to i32
    %sign3A_116 = arith.constant 0 : i32
    %sign3A_117 = arith.cmpi slt, %jit3A_104, %sign3A_116 : i32
    %sign3A_118 = arith.extui %sign3A_117 : i1 to i32
    %sign3A_119 = arith.subi %sign3A_115, %sign3A_118 : i32
    %ne3A_120 = arith.cmpi ne, %sign3A_112, %sign3A_119 : i32
    %rem3A_121 = arith.remsi %get3A_103, %jit3A_104 : i32
    %ne3A_122 = arith.constant 0 : i32
    %ne3A_123 = arith.cmpi ne, %rem3A_121, %ne3A_122 : i32
    %and3A_124 = arith.andi %ne3A_120, %ne3A_123 : i1
    %sub3A_125 = arith.constant 1 : i32
    %sub3A_126 = arith.subi %div3A_105, %sub3A_125 : i32
    %select_n3A_127 = arith.select %and3A_124, %sub3A_126, %div3A_105 : i32
    %mul3A_128 = arith.constant 128 : i32
    %mul3A_129 = arith.muli %select_n3A_127, %mul3A_128 : i32
    %get3A_130 = arith.constant 5 : index
    %get3A_131 = memref.load %arg1[%get3A_130] : memref<16xi32, #tpu.memory_space<smem>>
    %jit3A_132 = arith.constant 128 : i32
    %div3A_133 = arith.divsi %get3A_131, %jit3A_132 : i32
    %sign3A_134 = arith.constant 0 : i32
    %sign3A_135 = arith.cmpi sgt, %get3A_131, %sign3A_134 : i32
    %sign3A_136 = arith.extui %sign3A_135 : i1 to i32
    %sign3A_137 = arith.constant 0 : i32
    %sign3A_138 = arith.cmpi slt, %get3A_131, %sign3A_137 : i32
    %sign3A_139 = arith.extui %sign3A_138 : i1 to i32
    %sign3A_140 = arith.subi %sign3A_136, %sign3A_139 : i32
    %sign3A_141 = arith.constant 0 : i32
    %sign3A_142 = arith.cmpi sgt, %jit3A_132, %sign3A_141 : i32
    %sign3A_143 = arith.extui %sign3A_142 : i1 to i32
    %sign3A_144 = arith.constant 0 : i32
    %sign3A_145 = arith.cmpi slt, %jit3A_132, %sign3A_144 : i32
    %sign3A_146 = arith.extui %sign3A_145 : i1 to i32
    %sign3A_147 = arith.subi %sign3A_143, %sign3A_146 : i32
    %ne3A_148 = arith.cmpi ne, %sign3A_140, %sign3A_147 : i32
    %rem3A_149 = arith.remsi %get3A_131, %jit3A_132 : i32
    %ne3A_150 = arith.constant 0 : i32
    %ne3A_151 = arith.cmpi ne, %rem3A_149, %ne3A_150 : i32
    %and3A_152 = arith.andi %ne3A_148, %ne3A_151 : i1
    %sub3A_153 = arith.constant 1 : i32
    %sub3A_154 = arith.subi %div3A_133, %sub3A_153 : i32
    %select_n3A_155 = arith.select %and3A_152, %sub3A_154, %div3A_133 : i32
    %mul3A_156 = arith.constant 128 : i32
    %mul3A_157 = arith.muli %select_n3A_155, %mul3A_156 : i32
    %get3A_158 = arith.constant 6 : index
    %get3A_159 = memref.load %arg1[%get3A_158] : memref<16xi32, #tpu.memory_space<smem>>
    %jit3A_160 = arith.constant 128 : i32
    %div3A_161 = arith.divsi %get3A_159, %jit3A_160 : i32
    %sign3A_162 = arith.constant 0 : i32
    %sign3A_163 = arith.cmpi sgt, %get3A_159, %sign3A_162 : i32
    %sign3A_164 = arith.extui %sign3A_163 : i1 to i32
    %sign3A_165 = arith.constant 0 : i32
    %sign3A_166 = arith.cmpi slt, %get3A_159, %sign3A_165 : i32
    %sign3A_167 = arith.extui %sign3A_166 : i1 to i32
    %sign3A_168 = arith.subi %sign3A_164, %sign3A_167 : i32
    %sign3A_169 = arith.constant 0 : i32
    %sign3A_170 = arith.cmpi sgt, %jit3A_160, %sign3A_169 : i32
    %sign3A_171 = arith.extui %sign3A_170 : i1 to i32
    %sign3A_172 = arith.constant 0 : i32
    %sign3A_173 = arith.cmpi slt, %jit3A_160, %sign3A_172 : i32
    %sign3A_174 = arith.extui %sign3A_173 : i1 to i32
    %sign3A_175 = arith.subi %sign3A_171, %sign3A_174 : i32
    %ne3A_176 = arith.cmpi ne, %sign3A_168, %sign3A_175 : i32
    %rem3A_177 = arith.remsi %get3A_159, %jit3A_160 : i32
    %ne3A_178 = arith.constant 0 : i32
    %ne3A_179 = arith.cmpi ne, %rem3A_177, %ne3A_178 : i32
    %and3A_180 = arith.andi %ne3A_176, %ne3A_179 : i1
    %sub3A_181 = arith.constant 1 : i32
    %sub3A_182 = arith.subi %div3A_161, %sub3A_181 : i32
    %select_n3A_183 = arith.select %and3A_180, %sub3A_182, %div3A_161 : i32
    %mul3A_184 = arith.constant 128 : i32
    %mul3A_185 = arith.muli %select_n3A_183, %mul3A_184 : i32
    %get3A_186 = arith.constant 7 : index
    %get3A_187 = memref.load %arg1[%get3A_186] : memref<16xi32, #tpu.memory_space<smem>>
    %jit3A_188 = arith.constant 128 : i32
    %div3A_189 = arith.divsi %get3A_187, %jit3A_188 : i32
    %sign3A_190 = arith.constant 0 : i32
    %sign3A_191 = arith.cmpi sgt, %get3A_187, %sign3A_190 : i32
    %sign3A_192 = arith.extui %sign3A_191 : i1 to i32
    %sign3A_193 = arith.constant 0 : i32
    %sign3A_194 = arith.cmpi slt, %get3A_187, %sign3A_193 : i32
    %sign3A_195 = arith.extui %sign3A_194 : i1 to i32
    %sign3A_196 = arith.subi %sign3A_192, %sign3A_195 : i32
    %sign3A_197 = arith.constant 0 : i32
    %sign3A_198 = arith.cmpi sgt, %jit3A_188, %sign3A_197 : i32
    %sign3A_199 = arith.extui %sign3A_198 : i1 to i32
    %sign3A_200 = arith.constant 0 : i32
    %sign3A_201 = arith.cmpi slt, %jit3A_188, %sign3A_200 : i32
    %sign3A_202 = arith.extui %sign3A_201 : i1 to i32
    %sign3A_203 = arith.subi %sign3A_199, %sign3A_202 : i32
    %ne3A_204 = arith.cmpi ne, %sign3A_196, %sign3A_203 : i32
    %rem3A_205 = arith.remsi %get3A_187, %jit3A_188 : i32
    %ne3A_206 = arith.constant 0 : i32
    %ne3A_207 = arith.cmpi ne, %rem3A_205, %ne3A_206 : i32
    %and3A_208 = arith.andi %ne3A_204, %ne3A_207 : i1
    %sub3A_209 = arith.constant 1 : i32
    %sub3A_210 = arith.subi %div3A_189, %sub3A_209 : i32
    %select_n3A_211 = arith.select %and3A_208, %sub3A_210, %div3A_189 : i32
    %mul3A_212 = arith.constant 128 : i32
    %mul3A_213 = arith.muli %select_n3A_211, %mul3A_212 : i32
    %get3A_214 = arith.constant 8 : index
    %get3A_215 = memref.load %arg1[%get3A_214] : memref<16xi32, #tpu.memory_space<smem>>
    %jit3A_216 = arith.constant 128 : i32
    %div3A_217 = arith.divsi %get3A_215, %jit3A_216 : i32
    %sign3A_218 = arith.constant 0 : i32
    %sign3A_219 = arith.cmpi sgt, %get3A_215, %sign3A_218 : i32
    %sign3A_220 = arith.extui %sign3A_219 : i1 to i32
    %sign3A_221 = arith.constant 0 : i32
    %sign3A_222 = arith.cmpi slt, %get3A_215, %sign3A_221 : i32
    %sign3A_223 = arith.extui %sign3A_222 : i1 to i32
    %sign3A_224 = arith.subi %sign3A_220, %sign3A_223 : i32
    %sign3A_225 = arith.constant 0 : i32
    %sign3A_226 = arith.cmpi sgt, %jit3A_216, %sign3A_225 : i32
    %sign3A_227 = arith.extui %sign3A_226 : i1 to i32
    %sign3A_228 = arith.constant 0 : i32
    %sign3A_229 = arith.cmpi slt, %jit3A_216, %sign3A_228 : i32
    %sign3A_230 = arith.extui %sign3A_229 : i1 to i32
    %sign3A_231 = arith.subi %sign3A_227, %sign3A_230 : i32
    %ne3A_232 = arith.cmpi ne, %sign3A_224, %sign3A_231 : i32
    %rem3A_233 = arith.remsi %get3A_215, %jit3A_216 : i32
    %ne3A_234 = arith.constant 0 : i32
    %ne3A_235 = arith.cmpi ne, %rem3A_233, %ne3A_234 : i32
    %and3A_236 = arith.andi %ne3A_232, %ne3A_235 : i1
    %sub3A_237 = arith.constant 1 : i32
    %sub3A_238 = arith.subi %div3A_217, %sub3A_237 : i32
    %select_n3A_239 = arith.select %and3A_236, %sub3A_238, %div3A_217 : i32
    %mul3A_240 = arith.constant 128 : i32
    %mul3A_241 = arith.muli %select_n3A_239, %mul3A_240 : i32
    %get3A_242 = arith.constant 9 : index
    %get3A_243 = memref.load %arg1[%get3A_242] : memref<16xi32, #tpu.memory_space<smem>>
    %jit3A_244 = arith.constant 128 : i32
    %div3A_245 = arith.divsi %get3A_243, %jit3A_244 : i32
    %sign3A_246 = arith.constant 0 : i32
    %sign3A_247 = arith.cmpi sgt, %get3A_243, %sign3A_246 : i32
    %sign3A_248 = arith.extui %sign3A_247 : i1 to i32
    %sign3A_249 = arith.constant 0 : i32
    %sign3A_250 = arith.cmpi slt, %get3A_243, %sign3A_249 : i32
    %sign3A_251 = arith.extui %sign3A_250 : i1 to i32
    %sign3A_252 = arith.subi %sign3A_248, %sign3A_251 : i32
    %sign3A_253 = arith.constant 0 : i32
    %sign3A_254 = arith.cmpi sgt, %jit3A_244, %sign3A_253 : i32
    %sign3A_255 = arith.extui %sign3A_254 : i1 to i32
    %sign3A_256 = arith.constant 0 : i32
    %sign3A_257 = arith.cmpi slt, %jit3A_244, %sign3A_256 : i32
    %sign3A_258 = arith.extui %sign3A_257 : i1 to i32
    %sign3A_259 = arith.subi %sign3A_255, %sign3A_258 : i32
    %ne3A_260 = arith.cmpi ne, %sign3A_252, %sign3A_259 : i32
    %rem3A_261 = arith.remsi %get3A_243, %jit3A_244 : i32
    %ne3A_262 = arith.constant 0 : i32
    %ne3A_263 = arith.cmpi ne, %rem3A_261, %ne3A_262 : i32
    %and3A_264 = arith.andi %ne3A_260, %ne3A_263 : i1
    %sub3A_265 = arith.constant 1 : i32
    %sub3A_266 = arith.subi %div3A_245, %sub3A_265 : i32
    %select_n3A_267 = arith.select %and3A_264, %sub3A_266, %div3A_245 : i32
    %mul3A_268 = arith.constant 128 : i32
    %mul3A_269 = arith.muli %select_n3A_267, %mul3A_268 : i32
    %get3A_270 = arith.constant 10 : index
    %get3A_271 = memref.load %arg1[%get3A_270] : memref<16xi32, #tpu.memory_space<smem>>
    %jit3A_272 = arith.constant 128 : i32
    %div3A_273 = arith.divsi %get3A_271, %jit3A_272 : i32
    %sign3A_274 = arith.constant 0 : i32
    %sign3A_275 = arith.cmpi sgt, %get3A_271, %sign3A_274 : i32
    %sign3A_276 = arith.extui %sign3A_275 : i1 to i32
    %sign3A_277 = arith.constant 0 : i32
    %sign3A_278 = arith.cmpi slt, %get3A_271, %sign3A_277 : i32
    %sign3A_279 = arith.extui %sign3A_278 : i1 to i32
    %sign3A_280 = arith.subi %sign3A_276, %sign3A_279 : i32
    %sign3A_281 = arith.constant 0 : i32
    %sign3A_282 = arith.cmpi sgt, %jit3A_272, %sign3A_281 : i32
    %sign3A_283 = arith.extui %sign3A_282 : i1 to i32
    %sign3A_284 = arith.constant 0 : i32
    %sign3A_285 = arith.cmpi slt, %jit3A_272, %sign3A_284 : i32
    %sign3A_286 = arith.extui %sign3A_285 : i1 to i32
    %sign3A_287 = arith.subi %sign3A_283, %sign3A_286 : i32
    %ne3A_288 = arith.cmpi ne, %sign3A_280, %sign3A_287 : i32
    %rem3A_289 = arith.remsi %get3A_271, %jit3A_272 : i32
    %ne3A_290 = arith.constant 0 : i32
    %ne3A_291 = arith.cmpi ne, %rem3A_289, %ne3A_290 : i32
    %and3A_292 = arith.andi %ne3A_288, %ne3A_291 : i1
    %sub3A_293 = arith.constant 1 : i32
    %sub3A_294 = arith.subi %div3A_273, %sub3A_293 : i32
    %select_n3A_295 = arith.select %and3A_292, %sub3A_294, %div3A_273 : i32
    %mul3A_296 = arith.constant 128 : i32
    %mul3A_297 = arith.muli %select_n3A_295, %mul3A_296 : i32
    %dma_start3A = arith.constant 0 : i32
    %dma_start3A_298 = arith.constant 0 : i32
    %dma_start3A_299 = tpu.memref_slice %arg5[%dma_start3A, %dma_start3A_298] : memref<64x1408xf32, #tpu.memory_space<vmem>> -> memref<64x128xf32, #tpu.memory_space<vmem>>
    %dma_start3A_300 = arith.constant 0 : i32
    %dma_start3A_301 = tpu.memref_slice %arg3[%dma_start3A_300, %mul3A_17] : memref<64x100000xf32, #tpu.memory_space<any>> -> memref<64x128xf32, #tpu.memory_space<any>>
    tpu.enqueue_dma source(%dma_start3A_301 : memref<64x128xf32, #tpu.memory_space<any>>) target(%dma_start3A_299 : memref<64x128xf32, #tpu.memory_space<vmem>>) target_semaphore(%arg6 : memref<!tpu.dma_semaphore, #tpu.memory_space<semaphore_mem>>)
    %dma_start3A_302 = arith.constant 0 : i32
    %dma_start3A_303 = arith.constant 128 : i32
    %dma_start3A_304 = tpu.memref_slice %arg5[%dma_start3A_302, %dma_start3A_303] : memref<64x1408xf32, #tpu.memory_space<vmem>> -> memref<64x128xf32, #tpu.memory_space<vmem>>
    %dma_start3A_305 = arith.constant 0 : i32
    %dma_start3A_306 = tpu.memref_slice %arg3[%dma_start3A_305, %mul3A_45] : memref<64x100000xf32, #tpu.memory_space<any>> -> memref<64x128xf32, #tpu.memory_space<any>>
    tpu.enqueue_dma source(%dma_start3A_306 : memref<64x128xf32, #tpu.memory_space<any>>) target(%dma_start3A_304 : memref<64x128xf32, #tpu.memory_space<vmem>>) target_semaphore(%arg6 : memref<!tpu.dma_semaphore, #tpu.memory_space<semaphore_mem>>)
    %dma_start3A_307 = arith.constant 0 : i32
    %dma_start3A_308 = arith.constant 256 : i32
    %dma_start3A_309 = tpu.memref_slice %arg5[%dma_start3A_307, %dma_start3A_308] : memref<64x1408xf32, #tpu.memory_space<vmem>> -> memref<64x128xf32, #tpu.memory_space<vmem>>
    %dma_start3A_310 = arith.constant 0 : i32
    %dma_start3A_311 = tpu.memref_slice %arg3[%dma_start3A_310, %mul3A_73] : memref<64x100000xf32, #tpu.memory_space<any>> -> memref<64x128xf32, #tpu.memory_space<any>>
    tpu.enqueue_dma source(%dma_start3A_311 : memref<64x128xf32, #tpu.memory_space<any>>) target(%dma_start3A_309 : memref<64x128xf32, #tpu.memory_space<vmem>>) target_semaphore(%arg6 : memref<!tpu.dma_semaphore, #tpu.memory_space<semaphore_mem>>)
    %dma_start3A_312 = arith.constant 0 : i32
    %dma_start3A_313 = arith.constant 384 : i32
    %dma_start3A_314 = tpu.memref_slice %arg5[%dma_start3A_312, %dma_start3A_313] : memref<64x1408xf32, #tpu.memory_space<vmem>> -> memref<64x128xf32, #tpu.memory_space<vmem>>
    %dma_start3A_315 = arith.constant 0 : i32
    %dma_start3A_316 = tpu.memref_slice %arg3[%dma_start3A_315, %mul3A_101] : memref<64x100000xf32, #tpu.memory_space<any>> -> memref<64x128xf32, #tpu.memory_space<any>>
    tpu.enqueue_dma source(%dma_start3A_316 : memref<64x128xf32, #tpu.memory_space<any>>) target(%dma_start3A_314 : memref<64x128xf32, #tpu.memory_space<vmem>>) target_semaphore(%arg6 : memref<!tpu.dma_semaphore, #tpu.memory_space<semaphore_mem>>)
    %dma_start3A_317 = arith.constant 0 : i32
    %dma_start3A_318 = arith.constant 512 : i32
    %dma_start3A_319 = tpu.memref_slice %arg5[%dma_start3A_317, %dma_start3A_318] : memref<64x1408xf32, #tpu.memory_space<vmem>> -> memref<64x128xf32, #tpu.memory_space<vmem>>
    %dma_start3A_320 = arith.constant 0 : i32
    %dma_start3A_321 = tpu.memref_slice %arg3[%dma_start3A_320, %mul3A_129] : memref<64x100000xf32, #tpu.memory_space<any>> -> memref<64x128xf32, #tpu.memory_space<any>>
    tpu.enqueue_dma source(%dma_start3A_321 : memref<64x128xf32, #tpu.memory_space<any>>) target(%dma_start3A_319 : memref<64x128xf32, #tpu.memory_space<vmem>>) target_semaphore(%arg6 : memref<!tpu.dma_semaphore, #tpu.memory_space<semaphore_mem>>)
    %dma_start3A_322 = arith.constant 0 : i32
    %dma_start3A_323 = arith.constant 640 : i32
    %dma_start3A_324 = tpu.memref_slice %arg5[%dma_start3A_322, %dma_start3A_323] : memref<64x1408xf32, #tpu.memory_space<vmem>> -> memref<64x128xf32, #tpu.memory_space<vmem>>
    %dma_start3A_325 = arith.constant 0 : i32
    %dma_start3A_326 = tpu.memref_slice %arg3[%dma_start3A_325, %mul3A_157] : memref<64x100000xf32, #tpu.memory_space<any>> -> memref<64x128xf32, #tpu.memory_space<any>>
    tpu.enqueue_dma source(%dma_start3A_326 : memref<64x128xf32, #tpu.memory_space<any>>) target(%dma_start3A_324 : memref<64x128xf32, #tpu.memory_space<vmem>>) target_semaphore(%arg6 : memref<!tpu.dma_semaphore, #tpu.memory_space<semaphore_mem>>)
    %dma_start3A_327 = arith.constant 0 : i32
    %dma_start3A_328 = arith.constant 768 : i32
    %dma_start3A_329 = tpu.memref_slice %arg5[%dma_start3A_327, %dma_start3A_328] : memref<64x1408xf32, #tpu.memory_space<vmem>> -> memref<64x128xf32, #tpu.memory_space<vmem>>
    %dma_start3A_330 = arith.constant 0 : i32
    %dma_start3A_331 = tpu.memref_slice %arg3[%dma_start3A_330, %mul3A_185] : memref<64x100000xf32, #tpu.memory_space<any>> -> memref<64x128xf32, #tpu.memory_space<any>>
    tpu.enqueue_dma source(%dma_start3A_331 : memref<64x128xf32, #tpu.memory_space<any>>) target(%dma_start3A_329 : memref<64x128xf32, #tpu.memory_space<vmem>>) target_semaphore(%arg6 : memref<!tpu.dma_semaphore, #tpu.memory_space<semaphore_mem>>)
    %dma_start3A_332 = arith.constant 0 : i32
    %dma_start3A_333 = arith.constant 896 : i32
    %dma_start3A_334 = tpu.memref_slice %arg5[%dma_start3A_332, %dma_start3A_333] : memref<64x1408xf32, #tpu.memory_space<vmem>> -> memref<64x128xf32, #tpu.memory_space<vmem>>
    %dma_start3A_335 = arith.constant 0 : i32
    %dma_start3A_336 = tpu.memref_slice %arg3[%dma_start3A_335, %mul3A_213] : memref<64x100000xf32, #tpu.memory_space<any>> -> memref<64x128xf32, #tpu.memory_space<any>>
    tpu.enqueue_dma source(%dma_start3A_336 : memref<64x128xf32, #tpu.memory_space<any>>) target(%dma_start3A_334 : memref<64x128xf32, #tpu.memory_space<vmem>>) target_semaphore(%arg6 : memref<!tpu.dma_semaphore, #tpu.memory_space<semaphore_mem>>)
    %dma_start3A_337 = arith.constant 0 : i32
    %dma_start3A_338 = arith.constant 1024 : i32
    %dma_start3A_339 = tpu.memref_slice %arg5[%dma_start3A_337, %dma_start3A_338] : memref<64x1408xf32, #tpu.memory_space<vmem>> -> memref<64x128xf32, #tpu.memory_space<vmem>>
    %dma_start3A_340 = arith.constant 0 : i32
    %dma_start3A_341 = tpu.memref_slice %arg3[%dma_start3A_340, %mul3A_241] : memref<64x100000xf32, #tpu.memory_space<any>> -> memref<64x128xf32, #tpu.memory_space<any>>
    tpu.enqueue_dma source(%dma_start3A_341 : memref<64x128xf32, #tpu.memory_space<any>>) target(%dma_start3A_339 : memref<64x128xf32, #tpu.memory_space<vmem>>) target_semaphore(%arg6 : memref<!tpu.dma_semaphore, #tpu.memory_space<semaphore_mem>>)
    %dma_start3A_342 = arith.constant 0 : i32
    %dma_start3A_343 = arith.constant 1152 : i32
    %dma_start3A_344 = tpu.memref_slice %arg5[%dma_start3A_342, %dma_start3A_343] : memref<64x1408xf32, #tpu.memory_space<vmem>> -> memref<64x128xf32, #tpu.memory_space<vmem>>
    %dma_start3A_345 = arith.constant 0 : i32
    %dma_start3A_346 = tpu.memref_slice %arg3[%dma_start3A_345, %mul3A_269] : memref<64x100000xf32, #tpu.memory_space<any>> -> memref<64x128xf32, #tpu.memory_space<any>>
    tpu.enqueue_dma source(%dma_start3A_346 : memref<64x128xf32, #tpu.memory_space<any>>) target(%dma_start3A_344 : memref<64x128xf32, #tpu.memory_space<vmem>>) target_semaphore(%arg6 : memref<!tpu.dma_semaphore, #tpu.memory_space<semaphore_mem>>)
    %dma_start3A_347 = arith.constant 0 : i32
    %dma_start3A_348 = arith.constant 1280 : i32
    %dma_start3A_349 = tpu.memref_slice %arg5[%dma_start3A_347, %dma_start3A_348] : memref<64x1408xf32, #tpu.memory_space<vmem>> -> memref<64x128xf32, #tpu.memory_space<vmem>>
    %dma_start3A_350 = arith.constant 0 : i32
    %dma_start3A_351 = tpu.memref_slice %arg3[%dma_start3A_350, %mul3A_297] : memref<64x100000xf32, #tpu.memory_space<any>> -> memref<64x128xf32, #tpu.memory_space<any>>
    tpu.enqueue_dma source(%dma_start3A_351 : memref<64x128xf32, #tpu.memory_space<any>>) target(%dma_start3A_349 : memref<64x128xf32, #tpu.memory_space<vmem>>) target_semaphore(%arg6 : memref<!tpu.dma_semaphore, #tpu.memory_space<semaphore_mem>>)
    %dma_wait3A = arith.constant 0 : i32
    %dma_wait3A_352 = arith.constant 0 : i32
    %dma_wait3A_353 = tpu.memref_slice %arg5[%dma_wait3A, %dma_wait3A_352] : memref<64x1408xf32, #tpu.memory_space<vmem>> -> memref<64x128xf32, #tpu.memory_space<vmem>>
    %dma_wait3A_354 = arith.constant 0 : i32
    %dma_wait3A_355 = tpu.memref_slice %arg3[%dma_wait3A_354, %mul3A_17] : memref<64x100000xf32, #tpu.memory_space<any>> -> memref<64x128xf32, #tpu.memory_space<any>>
    tpu.wait_dma2 semaphore(%arg6 : memref<!tpu.dma_semaphore, #tpu.memory_space<semaphore_mem>>) src(%dma_wait3A_355 : memref<64x128xf32, #tpu.memory_space<any>>) dst(%dma_wait3A_353 : memref<64x128xf32, #tpu.memory_space<vmem>>)
    %dma_wait3A_356 = arith.constant 0 : i32
    %dma_wait3A_357 = arith.constant 128 : i32
    %dma_wait3A_358 = tpu.memref_slice %arg5[%dma_wait3A_356, %dma_wait3A_357] : memref<64x1408xf32, #tpu.memory_space<vmem>> -> memref<64x128xf32, #tpu.memory_space<vmem>>
    %dma_wait3A_359 = arith.constant 0 : i32
    %dma_wait3A_360 = tpu.memref_slice %arg3[%dma_wait3A_359, %mul3A_45] : memref<64x100000xf32, #tpu.memory_space<any>> -> memref<64x128xf32, #tpu.memory_space<any>>
    tpu.wait_dma2 semaphore(%arg6 : memref<!tpu.dma_semaphore, #tpu.memory_space<semaphore_mem>>) src(%dma_wait3A_360 : memref<64x128xf32, #tpu.memory_space<any>>) dst(%dma_wait3A_358 : memref<64x128xf32, #tpu.memory_space<vmem>>)
    %dma_wait3A_361 = arith.constant 0 : i32
    %dma_wait3A_362 = arith.constant 256 : i32
    %dma_wait3A_363 = tpu.memref_slice %arg5[%dma_wait3A_361, %dma_wait3A_362] : memref<64x1408xf32, #tpu.memory_space<vmem>> -> memref<64x128xf32, #tpu.memory_space<vmem>>
    %dma_wait3A_364 = arith.constant 0 : i32
    %dma_wait3A_365 = tpu.memref_slice %arg3[%dma_wait3A_364, %mul3A_73] : memref<64x100000xf32, #tpu.memory_space<any>> -> memref<64x128xf32, #tpu.memory_space<any>>
    tpu.wait_dma2 semaphore(%arg6 : memref<!tpu.dma_semaphore, #tpu.memory_space<semaphore_mem>>) src(%dma_wait3A_365 : memref<64x128xf32, #tpu.memory_space<any>>) dst(%dma_wait3A_363 : memref<64x128xf32, #tpu.memory_space<vmem>>)
    %dma_wait3A_366 = arith.constant 0 : i32
    %dma_wait3A_367 = arith.constant 384 : i32
    %dma_wait3A_368 = tpu.memref_slice %arg5[%dma_wait3A_366, %dma_wait3A_367] : memref<64x1408xf32, #tpu.memory_space<vmem>> -> memref<64x128xf32, #tpu.memory_space<vmem>>
    %dma_wait3A_369 = arith.constant 0 : i32
    %dma_wait3A_370 = tpu.memref_slice %arg3[%dma_wait3A_369, %mul3A_101] : memref<64x100000xf32, #tpu.memory_space<any>> -> memref<64x128xf32, #tpu.memory_space<any>>
    tpu.wait_dma2 semaphore(%arg6 : memref<!tpu.dma_semaphore, #tpu.memory_space<semaphore_mem>>) src(%dma_wait3A_370 : memref<64x128xf32, #tpu.memory_space<any>>) dst(%dma_wait3A_368 : memref<64x128xf32, #tpu.memory_space<vmem>>)
    %dma_wait3A_371 = arith.constant 0 : i32
    %dma_wait3A_372 = arith.constant 512 : i32
    %dma_wait3A_373 = tpu.memref_slice %arg5[%dma_wait3A_371, %dma_wait3A_372] : memref<64x1408xf32, #tpu.memory_space<vmem>> -> memref<64x128xf32, #tpu.memory_space<vmem>>
    %dma_wait3A_374 = arith.constant 0 : i32
    %dma_wait3A_375 = tpu.memref_slice %arg3[%dma_wait3A_374, %mul3A_129] : memref<64x100000xf32, #tpu.memory_space<any>> -> memref<64x128xf32, #tpu.memory_space<any>>
    tpu.wait_dma2 semaphore(%arg6 : memref<!tpu.dma_semaphore, #tpu.memory_space<semaphore_mem>>) src(%dma_wait3A_375 : memref<64x128xf32, #tpu.memory_space<any>>) dst(%dma_wait3A_373 : memref<64x128xf32, #tpu.memory_space<vmem>>)
    %dma_wait3A_376 = arith.constant 0 : i32
    %dma_wait3A_377 = arith.constant 640 : i32
    %dma_wait3A_378 = tpu.memref_slice %arg5[%dma_wait3A_376, %dma_wait3A_377] : memref<64x1408xf32, #tpu.memory_space<vmem>> -> memref<64x128xf32, #tpu.memory_space<vmem>>
    %dma_wait3A_379 = arith.constant 0 : i32
    %dma_wait3A_380 = tpu.memref_slice %arg3[%dma_wait3A_379, %mul3A_157] : memref<64x100000xf32, #tpu.memory_space<any>> -> memref<64x128xf32, #tpu.memory_space<any>>
    tpu.wait_dma2 semaphore(%arg6 : memref<!tpu.dma_semaphore, #tpu.memory_space<semaphore_mem>>) src(%dma_wait3A_380 : memref<64x128xf32, #tpu.memory_space<any>>) dst(%dma_wait3A_378 : memref<64x128xf32, #tpu.memory_space<vmem>>)
    %dma_wait3A_381 = arith.constant 0 : i32
    %dma_wait3A_382 = arith.constant 768 : i32
    %dma_wait3A_383 = tpu.memref_slice %arg5[%dma_wait3A_381, %dma_wait3A_382] : memref<64x1408xf32, #tpu.memory_space<vmem>> -> memref<64x128xf32, #tpu.memory_space<vmem>>
    %dma_wait3A_384 = arith.constant 0 : i32
    %dma_wait3A_385 = tpu.memref_slice %arg3[%dma_wait3A_384, %mul3A_185] : memref<64x100000xf32, #tpu.memory_space<any>> -> memref<64x128xf32, #tpu.memory_space<any>>
    tpu.wait_dma2 semaphore(%arg6 : memref<!tpu.dma_semaphore, #tpu.memory_space<semaphore_mem>>) src(%dma_wait3A_385 : memref<64x128xf32, #tpu.memory_space<any>>) dst(%dma_wait3A_383 : memref<64x128xf32, #tpu.memory_space<vmem>>)
    %dma_wait3A_386 = arith.constant 0 : i32
    %dma_wait3A_387 = arith.constant 896 : i32
    %dma_wait3A_388 = tpu.memref_slice %arg5[%dma_wait3A_386, %dma_wait3A_387] : memref<64x1408xf32, #tpu.memory_space<vmem>> -> memref<64x128xf32, #tpu.memory_space<vmem>>
    %dma_wait3A_389 = arith.constant 0 : i32
    %dma_wait3A_390 = tpu.memref_slice %arg3[%dma_wait3A_389, %mul3A_213] : memref<64x100000xf32, #tpu.memory_space<any>> -> memref<64x128xf32, #tpu.memory_space<any>>
    tpu.wait_dma2 semaphore(%arg6 : memref<!tpu.dma_semaphore, #tpu.memory_space<semaphore_mem>>) src(%dma_wait3A_390 : memref<64x128xf32, #tpu.memory_space<any>>) dst(%dma_wait3A_388 : memref<64x128xf32, #tpu.memory_space<vmem>>)
    %dma_wait3A_391 = arith.constant 0 : i32
    %dma_wait3A_392 = arith.constant 1024 : i32
    %dma_wait3A_393 = tpu.memref_slice %arg5[%dma_wait3A_391, %dma_wait3A_392] : memref<64x1408xf32, #tpu.memory_space<vmem>> -> memref<64x128xf32, #tpu.memory_space<vmem>>
    %dma_wait3A_394 = arith.constant 0 : i32
    %dma_wait3A_395 = tpu.memref_slice %arg3[%dma_wait3A_394, %mul3A_241] : memref<64x100000xf32, #tpu.memory_space<any>> -> memref<64x128xf32, #tpu.memory_space<any>>
    tpu.wait_dma2 semaphore(%arg6 : memref<!tpu.dma_semaphore, #tpu.memory_space<semaphore_mem>>) src(%dma_wait3A_395 : memref<64x128xf32, #tpu.memory_space<any>>) dst(%dma_wait3A_393 : memref<64x128xf32, #tpu.memory_space<vmem>>)
    %dma_wait3A_396 = arith.constant 0 : i32
    %dma_wait3A_397 = arith.constant 1152 : i32
    %dma_wait3A_398 = tpu.memref_slice %arg5[%dma_wait3A_396, %dma_wait3A_397] : memref<64x1408xf32, #tpu.memory_space<vmem>> -> memref<64x128xf32, #tpu.memory_space<vmem>>
    %dma_wait3A_399 = arith.constant 0 : i32
    %dma_wait3A_400 = tpu.memref_slice %arg3[%dma_wait3A_399, %mul3A_269] : memref<64x100000xf32, #tpu.memory_space<any>> -> memref<64x128xf32, #tpu.memory_space<any>>
    tpu.wait_dma2 semaphore(%arg6 : memref<!tpu.dma_semaphore, #tpu.memory_space<semaphore_mem>>) src(%dma_wait3A_400 : memref<64x128xf32, #tpu.memory_space<any>>) dst(%dma_wait3A_398 : memref<64x128xf32, #tpu.memory_space<vmem>>)
    %dma_wait3A_401 = arith.constant 0 : i32
    %dma_wait3A_402 = arith.constant 1280 : i32
    %dma_wait3A_403 = tpu.memref_slice %arg5[%dma_wait3A_401, %dma_wait3A_402] : memref<64x1408xf32, #tpu.memory_space<vmem>> -> memref<64x128xf32, #tpu.memory_space<vmem>>
    %dma_wait3A_404 = arith.constant 0 : i32
    %dma_wait3A_405 = tpu.memref_slice %arg3[%dma_wait3A_404, %mul3A_297] : memref<64x100000xf32, #tpu.memory_space<any>> -> memref<64x128xf32, #tpu.memory_space<any>>
    tpu.wait_dma2 semaphore(%arg6 : memref<!tpu.dma_semaphore, #tpu.memory_space<semaphore_mem>>) src(%dma_wait3A_405 : memref<64x128xf32, #tpu.memory_space<any>>) dst(%dma_wait3A_403 : memref<64x128xf32, #tpu.memory_space<vmem>>)
    %get3A_406 = arith.constant 0 : index
    %get3A_407 = arith.constant 0 : index
    %get3A_408 = vector.load %arg2[%get3A_406, %get3A_407] : memref<1x16xi32, #tpu.memory_space<vmem>>, vector<1x16xi32>
    %iota3A = tpu.iota {dimensions = array<i32: 0>} : vector<16x1xi32>
    %mul3A_409 = arith.constant 128 : i32
    %mul3A_410 = vector.broadcast %mul3A_409 : i32 to vector<16x1xi32>
    %mul3A_411 = arith.muli %iota3A, %mul3A_410 : vector<16x1xi32>
    %jit3A_412 = arith.constant 128 : i32
    %eq3A = arith.constant 0 : i32
    %eq3A_413 = arith.cmpi eq, %jit3A_412, %eq3A : i32
    %jit3A_414 = arith.constant 1 : i32
    %select_n3A_415 = arith.select %eq3A_413, %jit3A_414, %jit3A_412 : i32
    %rem3A_416 = vector.broadcast %select_n3A_415 : i32 to vector<1x16xi32>
    %rem3A_417 = arith.remsi %get3A_408, %rem3A_416 : vector<1x16xi32>
    %ne3A_418 = arith.constant 0 : i32
    %ne3A_419 = vector.broadcast %ne3A_418 : i32 to vector<1x16xi32>
    %ne3A_420 = arith.cmpi ne, %rem3A_417, %ne3A_419 : vector<1x16xi32>
    %lt3A = arith.constant 0 : i32
    %lt3A_421 = vector.broadcast %lt3A : i32 to vector<1x16xi32>
    %lt3A_422 = arith.cmpi slt, %rem3A_417, %lt3A_421 : vector<1x16xi32>
    %lt3A_423 = arith.constant 0 : i32
    %lt3A_424 = arith.cmpi slt, %select_n3A_415, %lt3A_423 : i32
    %ne3A_425 = vector.broadcast %lt3A_424 : i1 to vector<1x16xi1>
    %ne3A_426 = vector.broadcast %ne3A_425 : vector<1x16xi1> to vector<1x16xi1>
    %ne3A_427 = arith.xori %lt3A_422, %ne3A_426 : vector<1x16xi1>
    %and3A_428 = arith.andi %ne3A_427, %ne3A_420 : vector<1x16xi1>
    %add3A = vector.broadcast %select_n3A_415 : i32 to vector<1x16xi32>
    %add3A_429 = arith.addi %rem3A_417, %add3A : vector<1x16xi32>
    %select_n3A_430 = arith.select %and3A_428, %add3A_429, %rem3A_417 : vector<1x16xi1>, vector<1x16xi32>
    %reshape3A = vector.shape_cast %select_n3A_430 : vector<1x16xi32> to vector<16x1xi32>
    %add3A_431 = arith.addi %mul3A_411, %reshape3A : vector<16x1xi32>
    %iota3A_432 = tpu.iota {dimensions = array<i32: 1>} : vector<16x1408xi32>
    %eq3A_433 = vector.broadcast %add3A_431 : vector<16x1xi32> to vector<16x1408xi32>
    %eq3A_434 = arith.cmpi eq, %eq3A_433, %iota3A_432 : vector<16x1408xi32>
    %convert_element_type3A = arith.extui %eq3A_434 : vector<16x1408xi1> to vector<16x1408xi32>
    %convert_element_type3A_435 = arith.sitofp %convert_element_type3A : vector<16x1408xi32> to vector<16x1408xf32>
    %get3A_436 = arith.constant 0 : index
    %get3A_437 = arith.constant 0 : index
    %get3A_438 = vector.load %arg5[%get3A_436, %get3A_437] : memref<64x1408xf32, #tpu.memory_space<vmem>>, vector<64x1408xf32>
    %dot_general3A = arith.constant dense<0.000000e+00> : vector<16x64xf32>
    %dot_general3A_439 = tpu.matmul %convert_element_type3A_435, %get3A_438, %dot_general3A {dimension_numbers = #tpu.dot_dimension_numbers<[1], [1], [0], [0], [0, 0, 1, 0], [], []>, precision = #tpu.contract_precision<fp32>, transpose_lhs_hint = false} : vector<16x1408xf32>, vector<64x1408xf32>, vector<16x64xf32> -> vector<16x64xf32>
    %slice3A = vector.extract_strided_slice %dot_general3A_439 {offsets = [0, 0], sizes = [11, 64], strides = [1, 1]} : vector<16x64xf32> to vector<11x64xf32>
    %swap3A = arith.constant 0 : index
    %swap3A_440 = arith.constant 0 : index
    %swap3A_441 = vector.load %arg4[%swap3A, %swap3A_440] : memref<11x64xf32, #tpu.memory_space<vmem>>, vector<11x64xf32>
    tpu.vector_store %arg4[%swap3A, %swap3A_440], %slice3A {strides = array<i32>} : memref<11x64xf32, #tpu.memory_space<vmem>>, vector<11x64xf32>,
    return
  }
  func.func @transform_0(%arg0: i32, %arg1: memref<16xi32, #tpu.memory_space<smem>>) -> (i32, i32) {
    %c0_i32 = arith.constant 0 : i32
    %c0_i32_0 = arith.constant 0 : i32
    %c0_i32_1 = arith.constant 0 : i32
    return %c0_i32, %c0_i32_0 : i32, i32
  }
  func.func @transform_2(%arg0: i32, %arg1: memref<16xi32, #tpu.memory_space<smem>>) -> (i32, i32) {
    %c0_i32 = arith.constant 0 : i32
    %c0_i32_0 = arith.constant 0 : i32
    %c0_i32_1 = arith.constant 0 : i32
    return %c0_i32, %c0_i32_0 : i32, i32
  }
}

</mosaic_0001>

<sc_bundles>
// kernel: kernel.4.cloned.1.call-start
scs
__scs_entry_jumppad:
0x0: {  	(pc) =	sbr.rel $0x88, $3  }
0x1: {  	(tag) =	ssettag $0x0;
	lr =	simm.s32 $0x1  }
0x2: {  	[smem:$0x3F9D] =	sst lr;
	_ =	strace $0xD0000000  }
0x3: {  	_ = 	snop  }
0x4: {  	_ = 	snop  }
0x5: {  	_ = 	snop  }
0x6: {  	_ = 	snop  }
0x7: {  	_ = 	snop  }
__scs_overlays_trampoline_lowered:
0x8: {  	[smem:$0x3FAC] =	sst s0  }
0x9: {  	[smem:$0x3FAD] =	sst s1  }
0xa: {  	[smem:$0x3FAE] =	sst s2  }
0xb: {  	[smem:$0x3FAF] =	sst s3  }
0xc: {  	[smem:$0x3FB0] =	sst s4  }
0xd: {  	[smem:$0x3FB1] =	sst s5  }
0xe: {  	[smem:$0x3FB2] =	sst s6  }
0xf: {  	[smem:$0x3FB3] =	sst s7  }
0x10: {  	[smem:$0x3FB4] =	sst s8  }
0x11: {  	[smem:$0x3FB5] =	sst s9;
	s0 =	simm.s32 @!p0 $0x0  }
0x12: {  	s1 =	sld [smem:$0x3F9B];
	s0 =	simm.s32 @p0 $0x1  }
0x13: {  	[smem:$0x3FB6] =	sst s0;
	s0 =	simm.s32 @!p1 $0x0  }
0x14: {  	s2 =	sld [smem:$0x3F9A];
	s0 =	simm.s32 @p1 $0x1  }
0x15: {  	[smem:$0x3FB7] =	sst s0;
	s0 =	simm.s32 @!p2 $0x0  }
0x16: {  	s3 =	sld [smem:$0x3FDB];
	s0 =	simm.s32 @p2 $0x1  }
0x17: {  	s4 =	simm.s32 $0x1BF5;
	[smem:$0x3FB9] =	sst s0  }
0x18: {  	s0 =	sld [smem:$0x3F9C];
	_ =	swait.ge [sflag:s4], $0x0  }
0x19: {  	s7 =	sld [smem:$0x3F9D]  }
0x1a: {  	s8 =	sadd.s32 $0xFFFFE003, lr  }
0x1b: {  	s9 =	sadd.s32 $0xFFFFFEF7, lr;
	s5 =	simm.s32 $0xFFFFFFFF;
	p2 =	slt.u32 s8, $0xFFFFF086  }
0x1c: {  	p1 =	slt.u32 s9, $0xF7A;
	s5 =	simm.s32 @!p2 $0x0  }
0x1d: {  	s5 =	simm.s32 @p1 $0x1;
	p0 =	seq.s32 s7, s2  }
0x1e: {  	s7 =	smul.u32 @!p0 $0xF7A, s2;
	p2 =	seq.s32 @!p0 s5, $0x0  }
0x1f: {  	s9 =	smul.u32 $0xF7A, s1;
	s8 =	simm.s32 @!p0 $0x1BF5;
	p2 =	por !p2, p0  }
0x20: {  	[sflag:s8] =	ssyncset.s32 @!p0 $0xFFFFF086;
	s6 =	sadd.s32 @!p0 s3, s7;
	s7 =	simm.s32 @!p0 $0x108  }
0x21: {  	s3 =	sadd.s32 s3, s9;
	s6 =	sadd.s32 @!p0 $0x88, s6;
	s7 =	simm.s32 @p2 $0x1082  }
0x22: {  	[simem:s7], [sflag:s8] =	dma.local @!p0 [hbm:s6], $0xF7A  }
0x23: {  	s9 =	sor.u32 $0xD0000000, s2;
	s6 =	simm.s32 $0x108;
	_ =	swait.ge @!p0 [sflag:s8], $0x0  }
0x24: {  	s3 =	sadd.s32 $0x88, s3;
	s6 =	simm.s32 @!p1 $0x1082;
	[sflag:s4] =	ssyncset.s32 $0xFFFFF086  }
0x25: {  	[simem:s6], [sflag:s4] =	dma.local [hbm:s3], $0xF7A  }
0x26: {  	[smem:$0x3F9D] =	sst s1;
	(tag) =	ssettag s2;
	_ =	strace s9  }
0x27: {  	s1 =	sld [smem:$0x3FAD]  }
0x28: {  	s2 =	sld [smem:$0x3FAE]  }
0x29: {  	s4 =	sld [smem:$0x3FB0]  }
0x2a: {  	p0 =	seq.s32 s5, $0x0;
	s5 =	sld [smem:$0x3FB1]  }
0x2b: {  	s6 =	sld [smem:$0x3FB2]  }
0x2c: {  	s7 =	sld [smem:$0x3FB3]  }
0x2d: {  	s3 =	simm.s32 $0x108;
	s8 =	sld [smem:$0x3FB4]  }
0x2e: {  	s3 =	simm.s32 @!p0 $0x1082;
	s9 =	sld [smem:$0x3FB5]  }
0x2f: {  	lr =	sadd.s32 s0, s3;
	s0 =	sld [smem:$0x3FAC]  }
0x30: {  	s3 =	sld [smem:$0x3FAF]  }
0x31: {  	[smem:$0x3FB8] =	sst s10  }
0x32: {  	s10 =	sld [smem:$0x3FB6];
	_ =	sdelay $0x3  }
0x33: {  	p0 =	seq.s32 s10, $0x1;
	s10 =	sld [smem:$0x3FB8];
	_ =	sdelay $0x3  }
0x34: {  	[smem:$0x3FB8] =	sst s10  }
0x35: {  	s10 =	sld [smem:$0x3FB7];
	_ =	sdelay $0x3  }
0x36: {  	p1 =	seq.s32 s10, $0x1;
	s10 =	sld [smem:$0x3FB8];
	_ =	sdelay $0x3  }
0x37: {  	[smem:$0x3FB8] =	sst s10  }
0x38: {  	s10 =	sld [smem:$0x3FB9]  }
0x39: {  	_ = 	snop;
	(pc) =	sbr.ind lr, $3  }
0x3a: {  	_ = 	snop  }
0x3b: {  	_ = 	snop  }
0x3c: {  	p2 =	seq.s32 s10, $0x1;
	s10 =	sld [smem:$0x3FB8]  }
0x3d: {  	_ =	shalt  }
0x3e: {  	_ =	shalt  }
0x3f: {  	_ =	shalt  }
0x40: {  	_ =	shalt  }
0x41: {  	_ =	shalt  }
0x42: {  	_ =	shalt  }
0x43: {  	_ =	shalt  }
0x44: {  	_ =	shalt  }
0x45: {  	_ =	shalt  }
0x46: {  	_ =	shalt  }
0x47: {  	_ =	shalt  }
0x48: {  	_ =	shalt  }
0x49: {  	_ =	shalt  }
0x4a: {  	_ =	shalt  }
0x4b: {  	_ =	shalt  }
0x4c: {  	_ =	shalt  }
0x4d: {  	_ =	shalt  }
0x4e: {  	_ =	shalt  }
0x4f: {  	_ =	shalt  }
0x50: {  	_ =	shalt  }
0x51: {  	_ =	shalt  }
0x52: {  	_ =	shalt  }
0x53: {  	_ =	shalt  }
0x54: {  	_ =	shalt  }
0x55: {  	_ =	shalt  }
0x56: {  	_ =	shalt  }
0x57: {  	_ =	shalt  }
0x58: {  	_ =	shalt  }
0x59: {  	_ =	shalt  }
0x5a: {  	_ =	shalt  }
0x5b: {  	_ =	shalt  }
0x5c: {  	_ =	shalt  }
0x5d: {  	_ =	shalt  }
0x5e: {  	_ =	shalt  }
0x5f: {  	_ =	shalt  }
0x60: {  	_ =	shalt  }
0x61: {  	_ =	shalt  }
0x62: {  	_ =	shalt  }
0x63: {  	_ =	shalt  }
0x64: {  	_ =	shalt  }
0x65: {  	_ =	shalt  }
0x66: {  	_ =	shalt  }
0x67: {  	_ =	shalt  }
0x68: {  	_ =	shalt  }
0x69: {  	_ =	shalt  }
0x6a: {  	_ =	shalt  }
0x6b: {  	_ =	shalt  }
0x6c: {  	_ =	shalt  }
0x6d: {  	_ =	shalt  }
0x6e: {  	_ =	shalt  }
0x6f: {  	_ =	shalt  }
0x70: {  	_ =	shalt  }
0x71: {  	_ =	shalt  }
0x72: {  	_ =	shalt  }
0x73: {  	_ =	shalt  }
0x74: {  	_ =	shalt  }
0x75: {  	_ =	shalt  }
0x76: {  	_ =	shalt  }
0x77: {  	_ =	shalt  }
0x78: {  	_ =	shalt  }
0x79: {  	_ =	shalt  }
0x7a: {  	_ =	shalt  }
0x7b: {  	_ =	shalt  }
0x7c: {  	_ =	shalt  }
0x7d: {  	_ =	shalt  }
0x7e: {  	_ =	shalt  }
0x7f: {  	_ =	shalt  }
0x80: {  	_ =	shalt  }
0x81: {  	_ =	shalt  }
0x82: {  	_ =	shalt  }
0x83: {  	_ =	shalt  }
0x84: {  	_ =	shalt  }
0x85: {  	_ =	shalt  }
0x86: {  	_ =	shalt  }
0x87: {  	_ =	shalt  }
.Lfunc_end0:
.L_simem_size_0:
called_computation_lowered:
.L_overlay_start_0:
0x88: {  	s0 =	sld [smem:$0x3FD9]  }
0x89: {  	s1 =	sld [smem:$0x3FFE];
	_ =	sdelay $0x3  }
0x8a: {  	s0 =	sadd.s32 s1, s0  }
0x8b: {  	[smem:$0x3FC4] =	sst s0  }
0x8c: {  	_ = 	snop  }
0x8d: {  	s0 =	sld [smem:$0x3FC8]  }
0x8e: {  	s16 =	sld [smem:$0x3FD0];
	(tm) =	ssettm $0x1  }
0x8f: {  	s2 =	sld [smem:$0x3FFB];
	_ =	sdelay $0x3  }
0x90: {  	_ =	strace s2  }
0x91: {  	s2 =	sld [smem:$0x3FFC];
	_ =	sdelay $0x3  }
0x92: {  	_ =	strace s2  }
0x93: {  	s2 =	sld [smem:$0x3FFD];
	_ =	sdelay $0x3  }
0x94: {  	_ =	strace s2  }
0x95: {  	_ =	strace $0x8FFFFFFF  }
0x96: {  	s17 =	sld [smem:$0x3FDB];
	_ =	sdelay $0x1  }
0x97: {  	s3 =	simm.s32 $_scs_section_size  }
0x98: {  	s4 =	simm.s32 $_size__tile_overlayer_lowered;
	s5 =	simm.s32 $_tile_overlayer_lowered  }
0x99: {  	s20 =	simm.s32 $0x1BFF;
	s19 =	sshll.u32 s5, $0x1;
	s2 =	sadd.s32 s3, s17  }
0x9a: {  	s6 =	simm.s32 $0x0;
	s18 =	sshll.u32 s4, $0x1;
	s4 =	sadd.s32 s19, s2  }
0x9b: {  	[timem:s6], [sflag:s20] =	dma.local [hbm:s4], s18  }
0x9c: {  	_ =	swait.ge [sflag:s20], s18  }
0x9d: {  	s3 =	ssub.s32 $0x0, s18;
	[sflag:s20] =	ssyncset.done $0x0  }
0x9e: {  	[sflag:s20] =	ssyncadd.s32 s3;
	_ =	sdelay $0x1  }
0x9f: {  	s21 =	simm.s32 $0x1B8B  }
0xa0: {  	_ =	swait.ge [sflag:s21], $0x1  }
0xa1: {  	[sflag:s21] =	ssyncset.done $0x0  }
0xa2: {  	s23 =	simm.s32 $0x1B8E;
	s22 =	sld [smem:$0x3FFE];
	[sflag:s21] =	ssyncadd.s32 $0xFFFFFFFF  }
0xa3: {  	s24 =	simm.s32 $execute0_lowered;
	[smem:$0x3FD2] =	sst s23  }
0xa4: {  	s4 =	sshll.u32 s24, $0x1;
	_ =	strace $0x80000046;
	[dreg:$0x1] =	wrdreg $0xFFFFFFFF  }
0xa5: {  	s25 =	simm.s32 $_size_execute0_lowered;
	s2 =	sadd.s32 s2, s4;
	[dreg:$0x0] =	wrdreg $0x0  }
0xa6: {  	s4 =	sshll.u32 s25, $0x1;
	[dreg:$0x2] =	wrdreg s2  }
0xa7: {  	[dreg:$0x3] =	wrdreg s4  }
0xa8: {  	[dreg:$0x4] =	wrdreg $0xC0  }
0xa9: {  	_ =	task [dreg:s6], $0x5FFFF  }
0xaa: {  	[dreg:$0x1] =	wrdreg $0xFFFFFFFF  }
0xab: {  	[dreg:$0x0] =	wrdreg $0x60  }
0xac: {  	[dreg:$0x2] =	wrdreg s0  }
0xad: {  	[dreg:$0x3] =	wrdreg s16  }
0xae: {  	[dreg:$0x4] =	wrdreg s22  }
0xaf: {  	[dreg:$0x5] =	wrdreg $0x9  }
0xb0: {  	_ =	task.clear_ibuf [dreg:s6], $0x6FFFF;
	_ =	strace $0x90000046  }
0xb1: {  	s26 =	simm.s32 $0x9;
	_ =	strace $0x80000048  }
0xb2: {  	_ =	swait.ge [sflag:s26], $0x1  }
0xb3: {  	[sflag:s26] =	ssyncadd.s32 $0xFFFFFFFF  }
0xb4: {  	_ =	strace $0x90000048  }
0xb5: {  	_ =	sfence  }
0xb6: {  	s28 =	sld [smem:$0x0];
	_ =	sdelay $0x1  }
0xb7: {  	s29 =	srdreg.scid  }
0xb8: {  	s30 =	sshll.u32 s29, $0xD;
	s31 =	sshrl.u32 s29, $0x2  }
0xb9: {  	s1 =	sand.u32 $0x1, s29;
	s2 =	sand.u32 $0x4000, s30;
	s0 =	sadd.s32 s31, s28  }
0xba: {  	s1 =	sor.u32 s2, s1;
	s0 =	sshll.u32 s0, $0x11  }
0xbb: {  	s0 =	sor.u32 s0, s1  }
0xbc: {  	s0 =	sadd.s32 $0x8F2B, s0  }
0xbd: {  	[sflag:s0] =	ssyncadd.remote.s32 $0x1  }
0xbe: {  	_ =	sfence.sel $0xFFFF  }
0xbf: {  	[dreg:$0x0] =	wrdreg $0xFFFFFFFF;
	(pc) =	sbr.abs _section_cstart, $3  }
0xc0: {  	[dreg:$0x1] =	wrdreg $0xFFFFFFFF  }
0xc1: {  	_ =	task.clear_ibuf [dreg:s6], $0x2FFFF;
	_ =	strace $0x9FFFFFFF  }
0xc2: {  	(tm) =	ssettm $0x7FFFFFFF  }
0xc3: {  	_ =	shalt  }
tec
execute0_lowered:
.L_overlay_start_1:
0x0: {  	(tag) =	ssettag $0x1  }
0x1: {  	s0 =	rddreg [dreg:$0x0]  }
0x2: {  	s1 =	rddreg [dreg:$0x1];
	s3 =	stileid.u32  }
0x3: {  	s2 =	rddreg [dreg:$0x2];
	p0 =	sne.s32 s3, $0x0  }
0x4: {  	s4 =	rddreg [dreg:$0x3];
	_ =	strace $0x80000047;
	s3 =	simm.s32 @!p0 $0x0  }
0x5: {  	[tilespmem:s3], [sflag:$0x2] =	stream.linear.gather @!p0 [hbm4b:s1+s3], $0x80, $0x38;
	[tilespmem:$0x100] =	vst v63  }
0x6: {  	s1 =	simm.s32 @!p0 $0x2  }
0x7: {  	_ =	swait.ge @!p0 [sflag:s1], $0x80  }
0x8: {  	[sflag:s1] =	ssyncset.done @!p0 $0x0  }
0x9: {  	[sflag:s1] =	ssyncadd.s32 @!p0 $0xFFFFFF80  }
0xa: {  	v0 =	vld @!p0 [tilespmem:$0x0];
	_ =	sdelay $0x4  }
0xb: {  	vm0 =	vgt.s32 @!p0 v0, $0x0  }
0xc: {  	v1 =	vnsel @!p0 vm0, $0x0, v0  }
0xd: {  	v1 =	vmin.u32 @!p0 v1, $0xC7  }
0xe: {  	s5 =	simm.s32 @!p0 $0x10;
	s6 =	simm.s32 @!p0 $0x80;
	[tilespmem:$0x0] =	vst @!p0 v1  }
0xf: {  	[tilespmem:s6], [sflag:$0x1] =	stream.indirect.gather @!p0 [hbm4b:s0+s5], $0x1, s3, s5, $0xb8;
	[tilespmem:$0x100] =	vst v63  }
0x10: {  	s0 =	simm.s32 @!p0 $0x1  }
0x11: {  	_ =	swait.ge @!p0 [sflag:s0], $0x10  }
0x12: {  	[sflag:s0] =	ssyncset.done @!p0 $0x0  }
0x13: {  	[sflag:s0] =	ssyncadd.s32 @!p0 $0xFFFFFFF0  }
0x14: {  	v1 =	vld @!p0 [tilespmem:$0x80];
	_ =	sdelay $0x2  }
0x15: {  	vm1 =	vmmov @!p0 $0x7ff;
	vm0 =	vlt.u32 @!p0 v0, $0xC8  }
0x16: {  	vm0 =	vmand @!p0 vm0, vm1  }
0x17: {  	v0 =	vnsel @!p0 vm0, $0x0, v1  }
0x18: {  	s0 =	sadd.s32 $0x600, s2;
	[tilespmem:$0x80] =	vst @!p0 v0  }
0x19: {  	[hbm4b:s0+s3] =	stream.linear.scatter @!p0 [tilespmem:s6], [sflag:$0x2], $0x80, $0x38;
	[tilespmem:$0x100] =	vst v63  }
0x1a: {  	_ =	swait.ge @!p0 [sflag:s1], $0x80  }
0x1b: {  	[sflag:s1] =	ssyncset.done @!p0 $0x0  }
0x1c: {  	[sflag:s1] =	ssyncadd.s32 @!p0 $0xFFFFFF80  }
0x1d: {  	_ =	sfence.sel $0x180000  }
0x1e: {  	[bflag:$0x0] =	sbarrier.arrive $0xFFFF  }
0x1f: {  	_ =	strace $0x90000047  }
0x20: {  	s0 =	sadd.s32 @!p0 $0x100000, s4;
	[bflag:$0x2] =	sbarrier.arrive $0xFFFF  }
0x21: {  	[sflag:s0] =	ssyncadd.tile.s32 @!p0 $0x1;
	_ =	shalt  }
.Lfunc_end2:
_tile_overlayer_lowered:
.L_overlay_start_2:
0x22: {  	(tag) =	ssettag $0x2  }
0x23: {  	s0 =	rddreg [dreg:$0x0];
	s2 =	stileid.u32  }
0x24: {  	s1 =	rddreg [dreg:$0x1];
	p0 =	sne.s32 s2, $0x0  }
0x25: {  	s3 =	rddreg [dreg:$0x2];
	[bflag:$0x3] =	sbarrier.arrive $0xFFFF;
	s2 =	simm.s32 @!p0 $0x1C02  }
0x26: {  	[timem:s3], [sflag:s2] =	dma.local @!p0 [hbm:s0], s1  }
0x27: {  	s0 =	simm.s32 @!p0 $0x2  }
0x28: {  	_ =	swait.ge @!p0 [sflag:s0], s1  }
0x29: {  	s1 =	ssub.s32 @!p0 $0x0, s1;
	[sflag:s0] =	ssyncset.done @!p0 $0x0  }
0x2a: {  	[sflag:s0] =	ssyncadd.s32 @!p0 s1  }
0x2b: {  	[bflag:$0x3] =	sbarrier.arrive $0xFFFF  }
0x2c: {  	_ =	shalt  }

</sc_bundles>
